<compile_context>
chip_gen: v7x
topology: tpu7x:2x2x1
jax: 0.10.2.dev20260603
libtpu: 0.0.44.dev20260713+nightly
codegen_flags: <defaults>
</compile_context>

<pallas_src>
import functools

import jax
import jax.numpy as jnp
from jax import lax
from jax.experimental import pallas as pl
from jax.experimental.pallas import tpu as pltpu
from jax.experimental.pallas import tpu_sc as plsc

VOCAB = 1000000
EMBED = 32
HIDDEN = 64
OUT = 2
BATCH = 16384
FIELDS = 26

ROW_BLK = 8192

NC = 2
NS = 16
NW = NC * NS
TOTAL = BATCH * FIELDS
PER_TILE = TOTAL // NW
CHUNK = 128
NCHUNK = PER_TILE // CHUNK
GROUP = 8


def _mlp_body(tbl_ref, w1_ref, b1_ref, w2_ref, b2_ref, out_ref):
    x = tbl_ref[...]
    h = jnp.dot(x, w1_ref[...], preferred_element_type=jnp.float32) + b1_ref[...]
    h = jnp.maximum(h, 0.0)
    logits = jnp.dot(h, w2_ref[...], preferred_element_type=jnp.float32) + b2_ref[...]
    m = jnp.max(logits, axis=-1, keepdims=True)
    e = jnp.exp(logits - m)
    out_ref[...] = e / jnp.sum(e, axis=-1, keepdims=True)


def _vocab_mlp(table, W1, b1, W2, b2):
    return pl.pallas_call(
        _mlp_body,
        grid=(pl.cdiv(VOCAB, ROW_BLK),),
        in_specs=[
            pl.BlockSpec((ROW_BLK, EMBED), lambda i: (i, 0)),
            pl.BlockSpec((EMBED, HIDDEN), lambda i: (0, 0)),
            pl.BlockSpec((1, HIDDEN), lambda i: (0, 0)),
            pl.BlockSpec((HIDDEN, OUT), lambda i: (0, 0)),
            pl.BlockSpec((1, OUT), lambda i: (0, 0)),
        ],
        out_specs=pl.BlockSpec((ROW_BLK, OUT), lambda i: (i, 0)),
        out_shape=jax.ShapeDtypeStruct((VOCAB, OUT), jnp.float32),
    )(table, W1, b1.reshape(1, HIDDEN), W2, b2.reshape(1, OUT))


@functools.partial(
    pl.kernel,
    out_type=jax.ShapeDtypeStruct((NW, NCHUNK, CHUNK, OUT), jnp.float32),
    mesh=plsc.VectorSubcoreMesh(core_axis_name="c", subcore_axis_name="s"),
    scratch_types=[
        pltpu.VMEM((NCHUNK, CHUNK), jnp.int32),
        pltpu.VMEM((NCHUNK, CHUNK, OUT), jnp.float32),
        pltpu.SemaphoreType.DMA,
    ],
    compiler_params=pltpu.CompilerParams(use_tc_tiling_on_sc=False),
)
def _sc_gather(tbl_hbm, idx_hbm, out_hbm, idx_v, rows_v, sem):
    wid = lax.axis_index("s") * NC + lax.axis_index("c")
    pltpu.sync_copy(idx_hbm.at[wid], idx_v)

    def fire(g):
        base = g * GROUP
        for b in range(GROUP):
            pltpu.async_copy(tbl_hbm.at[idx_v.at[base + b]], rows_v.at[base + b], sem)

    def drain(g):
        base = g * GROUP
        for b in range(GROUP):
            pltpu.make_async_copy(
                tbl_hbm.at[idx_v.at[base + b]], rows_v.at[base + b], sem
            ).wait()

    n_groups = NCHUNK // GROUP
    fire(0)

    def body(g, carry):
        fire(g + 1)
        drain(g)
        return carry

    lax.fori_loop(0, n_groups - 1, body, 0)
    drain(n_groups - 1)
    pltpu.sync_copy(rows_v, out_hbm.at[wid])


@functools.partial(
    pl.kernel,
    out_type=jax.ShapeDtypeStruct((NW, NCHUNK, CHUNK), jnp.int32),
    mesh=plsc.VectorSubcoreMesh(core_axis_name="c", subcore_axis_name="s"),
    scratch_types=[
        pltpu.VMEM((NCHUNK, CHUNK), jnp.int32),
        pltpu.VMEM((64, OUT), jnp.float32),
    ],
    compiler_params=pltpu.CompilerParams(use_tc_tiling_on_sc=False),
)
def _sc_touch(tbl_hbm, idx_hbm, out_hbm, idx_v, probe_v):
    wid = lax.axis_index("s") * NC + lax.axis_index("c")
    pltpu.sync_copy(idx_hbm.at[wid], idx_v)
    pltpu.sync_copy(tbl_hbm.at[pl.ds(0, 64)], probe_v)
    pltpu.sync_copy(idx_v, out_hbm.at[wid])


def kernel(inputs, table, W1, b1, W2, b2):
    probs = _vocab_mlp(table, W1, b1, W2, b2)
    idx = inputs.astype(jnp.int32).reshape(NW, NCHUNK, CHUNK)
    return _sc_touch(probs, idx)

# --- scband reference (transcript-rebuilt; emitter-appended) ---
"""Pipeline reference for scband-model-1425929142384 (READ-ONLY COPY).

The authoritative reference and input builder live on the scoring server;
editing this copy changes nothing except your own understanding.
"""

import jax, jax.numpy as jnp
import numpy as np

VOCAB = 1000000
EMBED = 32
HIDDEN = 64
BATCH = 16384
FIELDS = 26

def setup_inputs(seed: int = 0) -> dict:
    key = jax.random.key(seed)
    k_idx, k_tab, k_w1, k_b1, k_w2, k_b2 = jax.random.split(key, 6)
    inputs = jax.random.randint(k_idx, (BATCH, FIELDS), 0, VOCAB, dtype=jnp.int64 if jax.config.jax_enable_x64 else jnp.int32)
    table = jax.random.normal(k_tab, (VOCAB, EMBED), dtype=jnp.float32) * 0.05
    W1 = jax.random.normal(k_w1, (EMBED, HIDDEN), dtype=jnp.float32) * (1.0 / np.sqrt(EMBED))
    b1 = jnp.zeros((HIDDEN,), dtype=jnp.float32)
    W2 = jax.random.normal(k_w2, (HIDDEN, 2), dtype=jnp.float32) * (1.0 / np.sqrt(HIDDEN))
    b2 = jnp.zeros((2,), dtype=jnp.float32)
    return {"inputs": inputs, "table": table, "W1": W1, "b1": b1, "W2": W2, "b2": b2}

def reference(inputs, table, W1, b1, W2, b2):
    x = jnp.take(table, inputs, axis=0)              # [B, F, EMBED] embedding gather
    x = jax.nn.relu(jnp.dot(x, W1) + b1)             # Dense(hidden_unit, relu)
    logits = jnp.dot(x, W2) + b2                     # Dense(2)
    return jax.nn.softmax(logits, axis=-1)           # softmax activation

if False:  # reference __main__ guard neutralized (emitter)
    out = reference(**setup_inputs())
    print(out.shape, out.dtype)

if __name__ == "__main__":
    import jax
    _d = setup_inputs()
    print(jax.jit(kernel)(*tuple(_d.values())))

</pallas_src>

<mosaic_0001>
#map = affine_map<(d0, d1) -> (0, 0)>
#map1 = affine_map<(d0, d1) -> (0, 0, 0)>
module attributes {stable_mosaic.version = 14 : i64} {
  func.func @_sc_touch(%arg0: i32, %arg1: i32, %arg2: memref<1000000x2xf32, #tpu.memory_space<hbm>>, %arg3: memref<32x104x128xi32, #tpu.memory_space<hbm>>, %arg4: memref<32x104x128xi32, #tpu.memory_space<hbm>>, %arg5: memref<104x128xi32, #tpu.memory_space<vmem>>, %arg6: memref<64x2xf32, #tpu.memory_space<vmem>>) attributes {dimension_semantics = [#tpu.dimension_semantics<core_parallel>, #tpu.dimension_semantics<subcore_parallel>], iteration_bounds = array<i64: 2, 16>, scalar_prefetch = 0 : i64, scratch_operands = 2 : i64, tpu.core_type = #tpu.core_type<sc_vector_subcore>, window_params = [{transform_indices = #map}, {transform_indices = #map1}, {transform_indices = #map1}]} {
    %mul3A = arith.constant 2 : i32
    %mul3A_0 = arith.muli %arg1, %mul3A : i32
    %add3A = arith.addi %mul3A_0, %arg0 : i32
    "tpu.region"() ({
      %run_scoped3A = tpu.sem_alloc : memref<!tpu.dma_semaphore, #tpu.memory_space<semaphore_mem>>
      %dma_start3A = arith.constant 0 : i32
      %dma_start3A_1 = arith.constant 0 : i32
      %dma_start3A_2 = tpu.memref_slice %arg3[%add3A, %dma_start3A, %dma_start3A_1] : memref<32x104x128xi32, #tpu.memory_space<hbm>> -> memref<1x104x128xi32, #tpu.memory_space<hbm>>
      %dma_start3A_3 = tpu.memref_squeeze %dma_start3A_2 : memref<1x104x128xi32, #tpu.memory_space<hbm>> -> memref<104x128xi32, #tpu.memory_space<hbm>>
      %dma_start3A_4 = arith.constant 0 : i32
      %dma_start3A_5 = arith.constant 0 : i32
      %dma_start3A_6 = tpu.memref_slice %arg3[%add3A, %dma_start3A_4, %dma_start3A_5] : memref<32x104x128xi32, #tpu.memory_space<hbm>> -> memref<1x104x128xi32, #tpu.memory_space<hbm>>
      %dma_start3A_7 = tpu.memref_squeeze %dma_start3A_6 : memref<1x104x128xi32, #tpu.memory_space<hbm>> -> memref<104x128xi32, #tpu.memory_space<hbm>>
      tpu.enqueue_dma source(%dma_start3A_7 : memref<104x128xi32, #tpu.memory_space<hbm>>) target(%arg5 : memref<104x128xi32, #tpu.memory_space<vmem>>) target_semaphore(%run_scoped3A : memref<!tpu.dma_semaphore, #tpu.memory_space<semaphore_mem>>)
      %dma_wait3A = arith.constant 0 : i32
      %dma_wait3A_8 = arith.constant 0 : i32
      %dma_wait3A_9 = tpu.memref_slice %arg3[%add3A, %dma_wait3A, %dma_wait3A_8] : memref<32x104x128xi32, #tpu.memory_space<hbm>> -> memref<1x104x128xi32, #tpu.memory_space<hbm>>
      %dma_wait3A_10 = tpu.memref_squeeze %dma_wait3A_9 : memref<1x104x128xi32, #tpu.memory_space<hbm>> -> memref<104x128xi32, #tpu.memory_space<hbm>>
      %dma_wait3A_11 = arith.constant 0 : i32
      %dma_wait3A_12 = arith.constant 0 : i32
      %dma_wait3A_13 = tpu.memref_slice %arg3[%add3A, %dma_wait3A_11, %dma_wait3A_12] : memref<32x104x128xi32, #tpu.memory_space<hbm>> -> memref<1x104x128xi32, #tpu.memory_space<hbm>>
      %dma_wait3A_14 = tpu.memref_squeeze %dma_wait3A_13 : memref<1x104x128xi32, #tpu.memory_space<hbm>> -> memref<104x128xi32, #tpu.memory_space<hbm>>
      tpu.wait_dma2 semaphore(%run_scoped3A : memref<!tpu.dma_semaphore, #tpu.memory_space<semaphore_mem>>) src(%dma_wait3A_14 : memref<104x128xi32, #tpu.memory_space<hbm>>) dst(%arg5 : memref<104x128xi32, #tpu.memory_space<vmem>>)
      tpu.yield
    }) : () -> ()
    "tpu.region"() ({
      %run_scoped3A = tpu.sem_alloc : memref<!tpu.dma_semaphore, #tpu.memory_space<semaphore_mem>>
      %dma_start3A = arith.constant 0 : i32
      %dma_start3A_1 = arith.constant 0 : i32
      %dma_start3A_2 = tpu.memref_slice %arg2[%dma_start3A, %dma_start3A_1] : memref<1000000x2xf32, #tpu.memory_space<hbm>> -> memref<64x2xf32, #tpu.memory_space<hbm>>
      %dma_start3A_3 = arith.constant 0 : i32
      %dma_start3A_4 = arith.constant 0 : i32
      %dma_start3A_5 = tpu.memref_slice %arg2[%dma_start3A_3, %dma_start3A_4] : memref<1000000x2xf32, #tpu.memory_space<hbm>> -> memref<64x2xf32, #tpu.memory_space<hbm>>
      tpu.enqueue_dma source(%dma_start3A_5 : memref<64x2xf32, #tpu.memory_space<hbm>>) target(%arg6 : memref<64x2xf32, #tpu.memory_space<vmem>>) target_semaphore(%run_scoped3A : memref<!tpu.dma_semaphore, #tpu.memory_space<semaphore_mem>>)
      %dma_wait3A = arith.constant 0 : i32
      %dma_wait3A_6 = arith.constant 0 : i32
      %dma_wait3A_7 = tpu.memref_slice %arg2[%dma_wait3A, %dma_wait3A_6] : memref<1000000x2xf32, #tpu.memory_space<hbm>> -> memref<64x2xf32, #tpu.memory_space<hbm>>
      %dma_wait3A_8 = arith.constant 0 : i32
      %dma_wait3A_9 = arith.constant 0 : i32
      %dma_wait3A_10 = tpu.memref_slice %arg2[%dma_wait3A_8, %dma_wait3A_9] : memref<1000000x2xf32, #tpu.memory_space<hbm>> -> memref<64x2xf32, #tpu.memory_space<hbm>>
      tpu.wait_dma2 semaphore(%run_scoped3A : memref<!tpu.dma_semaphore, #tpu.memory_space<semaphore_mem>>) src(%dma_wait3A_10 : memref<64x2xf32, #tpu.memory_space<hbm>>) dst(%arg6 : memref<64x2xf32, #tpu.memory_space<vmem>>)
      tpu.yield
    }) : () -> ()
    "tpu.region"() ({
      %run_scoped3A = tpu.sem_alloc : memref<!tpu.dma_semaphore, #tpu.memory_space<semaphore_mem>>
      %dma_start3A = arith.constant 0 : i32
      %dma_start3A_1 = arith.constant 0 : i32
      %dma_start3A_2 = tpu.memref_slice %arg4[%add3A, %dma_start3A, %dma_start3A_1] : memref<32x104x128xi32, #tpu.memory_space<hbm>> -> memref<1x104x128xi32, #tpu.memory_space<hbm>>
      %dma_start3A_3 = tpu.memref_squeeze %dma_start3A_2 : memref<1x104x128xi32, #tpu.memory_space<hbm>> -> memref<104x128xi32, #tpu.memory_space<hbm>>
      %dma_start3A_4 = arith.constant 0 : i32
      %dma_start3A_5 = arith.constant 0 : i32
      %dma_start3A_6 = tpu.memref_slice %arg4[%add3A, %dma_start3A_4, %dma_start3A_5] : memref<32x104x128xi32, #tpu.memory_space<hbm>> -> memref<1x104x128xi32, #tpu.memory_space<hbm>>
      %dma_start3A_7 = tpu.memref_squeeze %dma_start3A_6 : memref<1x104x128xi32, #tpu.memory_space<hbm>> -> memref<104x128xi32, #tpu.memory_space<hbm>>
      tpu.enqueue_dma source(%arg5 : memref<104x128xi32, #tpu.memory_space<vmem>>) target(%dma_start3A_7 : memref<104x128xi32, #tpu.memory_space<hbm>>) target_semaphore(%run_scoped3A : memref<!tpu.dma_semaphore, #tpu.memory_space<semaphore_mem>>)
      %dma_wait3A = arith.constant 0 : i32
      %dma_wait3A_8 = arith.constant 0 : i32
      %dma_wait3A_9 = tpu.memref_slice %arg4[%add3A, %dma_wait3A, %dma_wait3A_8] : memref<32x104x128xi32, #tpu.memory_space<hbm>> -> memref<1x104x128xi32, #tpu.memory_space<hbm>>
      %dma_wait3A_10 = tpu.memref_squeeze %dma_wait3A_9 : memref<1x104x128xi32, #tpu.memory_space<hbm>> -> memref<104x128xi32, #tpu.memory_space<hbm>>
      %dma_wait3A_11 = arith.constant 0 : i32
      %dma_wait3A_12 = arith.constant 0 : i32
      %dma_wait3A_13 = tpu.memref_slice %arg4[%add3A, %dma_wait3A_11, %dma_wait3A_12] : memref<32x104x128xi32, #tpu.memory_space<hbm>> -> memref<1x104x128xi32, #tpu.memory_space<hbm>>
      %dma_wait3A_14 = tpu.memref_squeeze %dma_wait3A_13 : memref<1x104x128xi32, #tpu.memory_space<hbm>> -> memref<104x128xi32, #tpu.memory_space<hbm>>
      tpu.wait_dma2 semaphore(%run_scoped3A : memref<!tpu.dma_semaphore, #tpu.memory_space<semaphore_mem>>) src(%arg5 : memref<104x128xi32, #tpu.memory_space<vmem>>) dst(%dma_wait3A_14 : memref<104x128xi32, #tpu.memory_space<hbm>>)
      tpu.yield
    }) : () -> ()
    return
  }
}

module attributes {stable_mosaic.version = 14 : i64} {
  func.func @_mlp_body(%arg0: i32, %arg1: memref<8192x32xf32, #tpu.memory_space<vmem>>, %arg2: memref<32x64xf32, #tpu.memory_space<vmem>>, %arg3: memref<1x64xf32, #tpu.memory_space<vmem>>, %arg4: memref<64x2xf32, #tpu.memory_space<vmem>>, %arg5: memref<1x2xf32, #tpu.memory_space<vmem>>, %arg6: memref<8192x2xf32, #tpu.memory_space<vmem>>) attributes {dimension_semantics = [#tpu.dimension_semantics<arbitrary>], iteration_bounds = array<i64: 123>, scalar_prefetch = 0 : i64, scratch_operands = 0 : i64, tpu.core_type = #tpu.core_type<tc>, window_params = [{transform_indices = @transform_0, window_bounds = array<i64: 8192, 32>}, {pipeline_mode = #tpu.pipeline_mode<synchronous>, transform_indices = @transform_1, window_bounds = array<i64: 32, 64>}, {pipeline_mode = #tpu.pipeline_mode<synchronous>, transform_indices = @transform_2, window_bounds = array<i64: 1, 64>}, {pipeline_mode = #tpu.pipeline_mode<synchronous>, transform_indices = @transform_3, window_bounds = array<i64: 64, 2>}, {pipeline_mode = #tpu.pipeline_mode<synchronous>, transform_indices = @transform_4, window_bounds = array<i64: 1, 2>}, {transform_indices = @transform_5, window_bounds = array<i64: 8192, 2>}]} {
    %get3A = arith.constant 0 : index
    %get3A_0 = arith.constant 0 : index
    %get3A_1 = vector.load %arg1[%get3A, %get3A_0] : memref<8192x32xf32, #tpu.memory_space<vmem>>, vector<8192x32xf32>
    %get3A_2 = arith.constant 0 : index
    %get3A_3 = arith.constant 0 : index
    %get3A_4 = vector.load %arg2[%get3A_2, %get3A_3] : memref<32x64xf32, #tpu.memory_space<vmem>>, vector<32x64xf32>
    %dot_general3A = arith.constant dense<0.000000e+00> : vector<8192x64xf32>
    %dot_general3A_5 = tpu.matmul %get3A_1, %get3A_4, %dot_general3A {dimension_numbers = #tpu.dot_dimension_numbers<[1], [0], [0], [1], [0, 0, 1, 1], [], []>, transpose_lhs_hint = false} : vector<8192x32xf32>, vector<32x64xf32>, vector<8192x64xf32> -> vector<8192x64xf32>
    %get3A_6 = arith.constant 0 : index
    %get3A_7 = arith.constant 0 : index
    %get3A_8 = vector.load %arg3[%get3A_6, %get3A_7] : memref<1x64xf32, #tpu.memory_space<vmem>>, vector<1x64xf32>
    %add3A = vector.broadcast %get3A_8 : vector<1x64xf32> to vector<8192x64xf32>
    %add3A_9 = arith.addf %dot_general3A_5, %add3A : vector<8192x64xf32>
    %max3A = arith.constant 0.000000e+00 : f32
    %max3A_10 = vector.broadcast %max3A : f32 to vector<8192x64xf32>
    %max3A_11 = arith.maximumf %add3A_9, %max3A_10 : vector<8192x64xf32>
    %get3A_12 = arith.constant 0 : index
    %get3A_13 = arith.constant 0 : index
    %get3A_14 = vector.load %arg4[%get3A_12, %get3A_13] : memref<64x2xf32, #tpu.memory_space<vmem>>, vector<64x2xf32>
    %dot_general3A_15 = arith.constant dense<0.000000e+00> : vector<8192x2xf32>
    %dot_general3A_16 = tpu.matmul %max3A_11, %get3A_14, %dot_general3A_15 {dimension_numbers = #tpu.dot_dimension_numbers<[1], [0], [0], [1], [0, 0, 1, 1], [], []>, transpose_lhs_hint = false} : vector<8192x64xf32>, vector<64x2xf32>, vector<8192x2xf32> -> vector<8192x2xf32>
    %get3A_17 = arith.constant 0 : index
    %get3A_18 = arith.constant 0 : index
    %get3A_19 = vector.load %arg5[%get3A_17, %get3A_18] : memref<1x2xf32, #tpu.memory_space<vmem>>, vector<1x2xf32>
    %add3A_20 = vector.broadcast %get3A_19 : vector<1x2xf32> to vector<8192x2xf32>
    %add3A_21 = arith.addf %dot_general3A_16, %add3A_20 : vector<8192x2xf32>
    %reduce_max3A = arith.constant dense<0xFF800000> : vector<8192xf32>
    %reduce_max3A_22 = vector.multi_reduction <maximumf>, %add3A_21, %reduce_max3A [1] : vector<8192x2xf32> to vector<8192xf32>
    %broadcast_in_dim3A = vector.shape_cast %reduce_max3A_22 : vector<8192xf32> to vector<8192x1xf32>
    %sub3A = vector.broadcast %broadcast_in_dim3A : vector<8192x1xf32> to vector<8192x2xf32>
    %sub3A_23 = arith.subf %add3A_21, %sub3A : vector<8192x2xf32>
    %exp3A = math.exp %sub3A_23 : vector<8192x2xf32>
    %reduce_sum3A = arith.constant dense<0.000000e+00> : vector<8192xf32>
    %reduce_sum3A_24 = vector.multi_reduction <add>, %exp3A, %reduce_sum3A [1] : vector<8192x2xf32> to vector<8192xf32>
    %broadcast_in_dim3A_25 = vector.shape_cast %reduce_sum3A_24 : vector<8192xf32> to vector<8192x1xf32>
    %div3A = vector.broadcast %broadcast_in_dim3A_25 : vector<8192x1xf32> to vector<8192x2xf32>
    %div3A_26 = arith.divf %exp3A, %div3A : vector<8192x2xf32>
    %swap3A = arith.constant 0 : index
    %swap3A_27 = arith.constant 0 : index
    %swap3A_28 = vector.load %arg6[%swap3A, %swap3A_27] : memref<8192x2xf32, #tpu.memory_space<vmem>>, vector<8192x2xf32>
    tpu.vector_store %arg6[%swap3A, %swap3A_27], %div3A_26 {strides = array<i32>} : memref<8192x2xf32, #tpu.memory_space<vmem>>, vector<8192x2xf32>,
    return
  }
  func.func @transform_0(%arg0: i32) -> (i32, i32) {
    %c0_i32 = arith.constant 0 : i32
    %c0_i32_0 = arith.constant 0 : i32
    return %arg0, %c0_i32 : i32, i32
  }
  func.func @transform_1(%arg0: i32) -> (i32, i32) {
    %c0_i32 = arith.constant 0 : i32
    %c0_i32_0 = arith.constant 0 : i32
    %c0_i32_1 = arith.constant 0 : i32
    return %c0_i32, %c0_i32_0 : i32, i32
  }
  func.func @transform_2(%arg0: i32) -> (i32, i32) {
    %c0_i32 = arith.constant 0 : i32
    %c0_i32_0 = arith.constant 0 : i32
    %c0_i32_1 = arith.constant 0 : i32
    return %c0_i32, %c0_i32_0 : i32, i32
  }
  func.func @transform_3(%arg0: i32) -> (i32, i32) {
    %c0_i32 = arith.constant 0 : i32
    %c0_i32_0 = arith.constant 0 : i32
    %c0_i32_1 = arith.constant 0 : i32
    return %c0_i32, %c0_i32_0 : i32, i32
  }
  func.func @transform_4(%arg0: i32) -> (i32, i32) {
    %c0_i32 = arith.constant 0 : i32
    %c0_i32_0 = arith.constant 0 : i32
    %c0_i32_1 = arith.constant 0 : i32
    return %c0_i32, %c0_i32_0 : i32, i32
  }
  func.func @transform_5(%arg0: i32) -> (i32, i32) {
    %c0_i32 = arith.constant 0 : i32
    %c0_i32_0 = arith.constant 0 : i32
    return %arg0, %c0_i32 : i32, i32
  }
}

</mosaic_0001>

<sc_bundles>
// kernel: kernel.4.cloned.1.call-start
scs
__scs_entry_jumppad:
0x0: {  	(pc) =	sbr.rel $0x88, $3  }
0x1: {  	(tag) =	ssettag $0x0;
	lr =	simm.s32 $0x1  }
0x2: {  	[smem:$0x3F9B] =	sst lr;
	_ =	strace $0xD0000000  }
0x3: {  	_ = 	snop  }
0x4: {  	_ = 	snop  }
0x5: {  	_ = 	snop  }
0x6: {  	_ = 	snop  }
0x7: {  	_ = 	snop  }
__scs_overlays_trampoline_lowered:
0x8: {  	[smem:$0x3FAA] =	sst s0  }
0x9: {  	[smem:$0x3FAB] =	sst s1  }
0xa: {  	[smem:$0x3FAC] =	sst s2  }
0xb: {  	[smem:$0x3FAD] =	sst s3  }
0xc: {  	[smem:$0x3FAE] =	sst s4  }
0xd: {  	[smem:$0x3FAF] =	sst s5  }
0xe: {  	[smem:$0x3FB0] =	sst s6  }
0xf: {  	[smem:$0x3FB1] =	sst s7  }
0x10: {  	[smem:$0x3FB2] =	sst s8  }
0x11: {  	[smem:$0x3FB3] =	sst s9;
	s0 =	simm.s32 @!p0 $0x0  }
0x12: {  	s1 =	sld [smem:$0x3F99];
	s0 =	simm.s32 @p0 $0x1  }
0x13: {  	[smem:$0x3FB4] =	sst s0;
	s0 =	simm.s32 @!p1 $0x0  }
0x14: {  	s2 =	sld [smem:$0x3F98];
	s0 =	simm.s32 @p1 $0x1  }
0x15: {  	[smem:$0x3FB5] =	sst s0;
	s0 =	simm.s32 @!p2 $0x0  }
0x16: {  	s3 =	sld [smem:$0x3FDB];
	s0 =	simm.s32 @p2 $0x1  }
0x17: {  	s4 =	simm.s32 $0x1BF5;
	[smem:$0x3FB7] =	sst s0  }
0x18: {  	s0 =	sld [smem:$0x3F9A];
	_ =	swait.ge [sflag:s4], $0x0  }
0x19: {  	s7 =	sld [smem:$0x3F9B]  }
0x1a: {  	s8 =	sadd.s32 $0xFFFFE003, lr  }
0x1b: {  	s9 =	sadd.s32 $0xFFFFFEF7, lr;
	s5 =	simm.s32 $0xFFFFFFFF;
	p2 =	slt.u32 s8, $0xFFFFF086  }
0x1c: {  	p1 =	slt.u32 s9, $0xF7A;
	s5 =	simm.s32 @!p2 $0x0  }
0x1d: {  	s5 =	simm.s32 @p1 $0x1;
	p0 =	seq.s32 s7, s2  }
0x1e: {  	s7 =	smul.u32 @!p0 $0xF7A, s2;
	p2 =	seq.s32 @!p0 s5, $0x0  }
0x1f: {  	s9 =	smul.u32 $0xF7A, s1;
	s8 =	simm.s32 @!p0 $0x1BF5;
	p2 =	por !p2, p0  }
0x20: {  	[sflag:s8] =	ssyncset.s32 @!p0 $0xFFFFF086;
	s6 =	sadd.s32 @!p0 s3, s7;
	s7 =	simm.s32 @!p0 $0x108  }
0x21: {  	s3 =	sadd.s32 s3, s9;
	s6 =	sadd.s32 @!p0 $0x88, s6;
	s7 =	simm.s32 @p2 $0x1082  }
0x22: {  	[simem:s7], [sflag:s8] =	dma.local @!p0 [hbm:s6], $0xF7A  }
0x23: {  	s9 =	sor.u32 $0xD0000000, s2;
	s6 =	simm.s32 $0x108;
	_ =	swait.ge @!p0 [sflag:s8], $0x0  }
0x24: {  	s3 =	sadd.s32 $0x88, s3;
	s6 =	simm.s32 @!p1 $0x1082;
	[sflag:s4] =	ssyncset.s32 $0xFFFFF086  }
0x25: {  	[simem:s6], [sflag:s4] =	dma.local [hbm:s3], $0xF7A  }
0x26: {  	[smem:$0x3F9B] =	sst s1;
	(tag) =	ssettag s2;
	_ =	strace s9  }
0x27: {  	s1 =	sld [smem:$0x3FAB]  }
0x28: {  	s2 =	sld [smem:$0x3FAC]  }
0x29: {  	s4 =	sld [smem:$0x3FAE]  }
0x2a: {  	p0 =	seq.s32 s5, $0x0;
	s5 =	sld [smem:$0x3FAF]  }
0x2b: {  	s6 =	sld [smem:$0x3FB0]  }
0x2c: {  	s7 =	sld [smem:$0x3FB1]  }
0x2d: {  	s3 =	simm.s32 $0x108;
	s8 =	sld [smem:$0x3FB2]  }
0x2e: {  	s3 =	simm.s32 @!p0 $0x1082;
	s9 =	sld [smem:$0x3FB3]  }
0x2f: {  	lr =	sadd.s32 s0, s3;
	s0 =	sld [smem:$0x3FAA]  }
0x30: {  	s3 =	sld [smem:$0x3FAD]  }
0x31: {  	[smem:$0x3FB6] =	sst s10  }
0x32: {  	s10 =	sld [smem:$0x3FB4];
	_ =	sdelay $0x3  }
0x33: {  	p0 =	seq.s32 s10, $0x1;
	s10 =	sld [smem:$0x3FB6];
	_ =	sdelay $0x3  }
0x34: {  	[smem:$0x3FB6] =	sst s10  }
0x35: {  	s10 =	sld [smem:$0x3FB5];
	_ =	sdelay $0x3  }
0x36: {  	p1 =	seq.s32 s10, $0x1;
	s10 =	sld [smem:$0x3FB6];
	_ =	sdelay $0x3  }
0x37: {  	[smem:$0x3FB6] =	sst s10  }
0x38: {  	s10 =	sld [smem:$0x3FB7]  }
0x39: {  	_ = 	snop;
	(pc) =	sbr.ind lr, $3  }
0x3a: {  	_ = 	snop  }
0x3b: {  	_ = 	snop  }
0x3c: {  	p2 =	seq.s32 s10, $0x1;
	s10 =	sld [smem:$0x3FB6]  }
0x3d: {  	_ =	shalt  }
0x3e: {  	_ =	shalt  }
0x3f: {  	_ =	shalt  }
0x40: {  	_ =	shalt  }
0x41: {  	_ =	shalt  }
0x42: {  	_ =	shalt  }
0x43: {  	_ =	shalt  }
0x44: {  	_ =	shalt  }
0x45: {  	_ =	shalt  }
0x46: {  	_ =	shalt  }
0x47: {  	_ =	shalt  }
0x48: {  	_ =	shalt  }
0x49: {  	_ =	shalt  }
0x4a: {  	_ =	shalt  }
0x4b: {  	_ =	shalt  }
0x4c: {  	_ =	shalt  }
0x4d: {  	_ =	shalt  }
0x4e: {  	_ =	shalt  }
0x4f: {  	_ =	shalt  }
0x50: {  	_ =	shalt  }
0x51: {  	_ =	shalt  }
0x52: {  	_ =	shalt  }
0x53: {  	_ =	shalt  }
0x54: {  	_ =	shalt  }
0x55: {  	_ =	shalt  }
0x56: {  	_ =	shalt  }
0x57: {  	_ =	shalt  }
0x58: {  	_ =	shalt  }
0x59: {  	_ =	shalt  }
0x5a: {  	_ =	shalt  }
0x5b: {  	_ =	shalt  }
0x5c: {  	_ =	shalt  }
0x5d: {  	_ =	shalt  }
0x5e: {  	_ =	shalt  }
0x5f: {  	_ =	shalt  }
0x60: {  	_ =	shalt  }
0x61: {  	_ =	shalt  }
0x62: {  	_ =	shalt  }
0x63: {  	_ =	shalt  }
0x64: {  	_ =	shalt  }
0x65: {  	_ =	shalt  }
0x66: {  	_ =	shalt  }
0x67: {  	_ =	shalt  }
0x68: {  	_ =	shalt  }
0x69: {  	_ =	shalt  }
0x6a: {  	_ =	shalt  }
0x6b: {  	_ =	shalt  }
0x6c: {  	_ =	shalt  }
0x6d: {  	_ =	shalt  }
0x6e: {  	_ =	shalt  }
0x6f: {  	_ =	shalt  }
0x70: {  	_ =	shalt  }
0x71: {  	_ =	shalt  }
0x72: {  	_ =	shalt  }
0x73: {  	_ =	shalt  }
0x74: {  	_ =	shalt  }
0x75: {  	_ =	shalt  }
0x76: {  	_ =	shalt  }
0x77: {  	_ =	shalt  }
0x78: {  	_ =	shalt  }
0x79: {  	_ =	shalt  }
0x7a: {  	_ =	shalt  }
0x7b: {  	_ =	shalt  }
0x7c: {  	_ =	shalt  }
0x7d: {  	_ =	shalt  }
0x7e: {  	_ =	shalt  }
0x7f: {  	_ =	shalt  }
0x80: {  	_ =	shalt  }
0x81: {  	_ =	shalt  }
0x82: {  	_ =	shalt  }
0x83: {  	_ =	shalt  }
0x84: {  	_ =	shalt  }
0x85: {  	_ =	shalt  }
0x86: {  	_ =	shalt  }
0x87: {  	_ =	shalt  }
.Lfunc_end0:
.L_simem_size_0:
called_computation_lowered:
.L_overlay_start_0:
0x88: {  	s2 =	sld [smem:$0x3FD9]  }
0x89: {  	s3 =	sld [smem:$0x3FFE];
	_ =	sdelay $0x1  }
0x8a: {  	s1 =	srdreg.scid  }
0x8b: {  	s0 =	sand.u32 $0x1, s1  }
0x8c: {  	s17 =	sshll.u32 s0, $0xA;
	s2 =	sadd.s32 s3, s2  }
0x8d: {  	s2 =	sadd.s32 s2, s17  }
0x8e: {  	[smem:$0x3FC2] =	sst s2  }
0x8f: {  	_ = 	snop  }
0x90: {  	s2 =	sld [smem:$0x3FD0];
	(tm) =	ssettm $0x1  }
0x91: {  	s18 =	sld [smem:$0x3FFB];
	_ =	sdelay $0x3  }
0x92: {  	_ =	strace s18  }
0x93: {  	s3 =	sld [smem:$0x3FFC];
	_ =	sdelay $0x3  }
0x94: {  	_ =	strace s3  }
0x95: {  	s3 =	sld [smem:$0x3FFD];
	_ =	sdelay $0x3  }
0x96: {  	_ =	strace s3  }
0x97: {  	_ =	strace $0x8FFFFFFF  }
0x98: {  	s19 =	sld [smem:$0x3FDB];
	_ =	sdelay $0x1  }
0x99: {  	s4 =	simm.s32 $_scs_section_size  }
0x9a: {  	s5 =	simm.s32 $_size__tile_overlayer_lowered;
	s6 =	simm.s32 $_tile_overlayer_lowered  }
0x9b: {  	s22 =	simm.s32 $0x1BFF;
	s21 =	sshll.u32 s6, $0x1;
	s3 =	sadd.s32 s4, s19  }
0x9c: {  	s7 =	simm.s32 $0x0;
	s20 =	sshll.u32 s5, $0x1;
	s5 =	sadd.s32 s21, s3  }
0x9d: {  	[timem:s7], [sflag:s22] =	dma.local [hbm:s5], s20  }
0x9e: {  	_ =	swait.ge [sflag:s22], s20  }
0x9f: {  	s4 =	ssub.s32 $0x0, s20;
	[sflag:s22] =	ssyncset.done $0x0  }
0xa0: {  	[sflag:s22] =	ssyncadd.s32 s4;
	_ =	sdelay $0x1  }
0xa1: {  	s23 =	simm.s32 $0x1B8B  }
0xa2: {  	_ =	swait.ge [sflag:s23], $0x1  }
0xa3: {  	[sflag:s23] =	ssyncset.done $0x0  }
0xa4: {  	s25 =	simm.s32 $0x1B8E;
	s24 =	sld [smem:$0x3FFE];
	[sflag:s23] =	ssyncadd.s32 $0xFFFFFFFF  }
0xa5: {  	s26 =	simm.s32 $execute0_lowered;
	[smem:$0x3FD2] =	sst s25  }
0xa6: {  	s5 =	sshll.u32 s26, $0x1;
	_ =	strace $0x80000046;
	[dreg:$0x1] =	wrdreg $0xFFFFFFFF  }
0xa7: {  	s28 =	simm.s32 $_size_execute0_lowered;
	s3 =	sadd.s32 s3, s5;
	[dreg:$0x0] =	wrdreg $0x0  }
0xa8: {  	s5 =	sshll.u32 s28, $0x1;
	[dreg:$0x2] =	wrdreg s3  }
0xa9: {  	[dreg:$0x3] =	wrdreg s5  }
0xaa: {  	[dreg:$0x4] =	wrdreg $0xC0  }
0xab: {  	_ =	task [dreg:s7], $0x5FFFF  }
0xac: {  	[dreg:$0x1] =	wrdreg $0xFFFFFFFF  }
0xad: {  	[dreg:$0x0] =	wrdreg $0x60  }
0xae: {  	[dreg:$0x2] =	wrdreg s24  }
0xaf: {  	[dreg:$0x3] =	wrdreg s2  }
0xb0: {  	[dreg:$0x4] =	wrdreg $0x9  }
0xb1: {  	_ =	task.clear_ibuf [dreg:s7], $0x5FFFF;
	_ =	strace $0x90000046  }
0xb2: {  	s29 =	simm.s32 $0x9;
	_ =	strace $0x80000048  }
0xb3: {  	_ =	swait.ge [sflag:s29], $0x1  }
0xb4: {  	[sflag:s29] =	ssyncadd.s32 $0xFFFFFFFF  }
0xb5: {  	_ =	strace $0x90000048  }
0xb6: {  	_ =	sfence  }
0xb7: {  	s30 =	sld [smem:$0x0];
	_ =	sdelay $0x2  }
0xb8: {  	s31 =	sshll.u32 s1, $0xD;
	s1 =	sshrl.u32 s1, $0x2  }
0xb9: {  	s3 =	sand.u32 $0x4000, s31;
	s1 =	sadd.s32 s1, s30  }
0xba: {  	s0 =	sor.u32 s3, s0;
	s1 =	sshll.u32 s1, $0x11  }
0xbb: {  	s0 =	sor.u32 s1, s0  }
0xbc: {  	s0 =	sadd.s32 $0x8F2B, s0  }
0xbd: {  	[sflag:s0] =	ssyncadd.remote.s32 $0x1  }
0xbe: {  	_ =	sfence.sel $0xFFFF  }
0xbf: {  	[dreg:$0x0] =	wrdreg $0xFFFFFFFF;
	(pc) =	sbr.abs _section_cstart, $3  }
0xc0: {  	[dreg:$0x1] =	wrdreg $0xFFFFFFFF  }
0xc1: {  	_ =	task.clear_ibuf [dreg:s7], $0x2FFFF;
	_ =	strace $0x9FFFFFFF  }
0xc2: {  	(tm) =	ssettm $0x7FFFFFFF  }
0xc3: {  	_ =	shalt  }
tec
execute0_lowered:
.L_overlay_start_1:
0x0: {  	(tag) =	ssettag $0x1  }
0x1: {  	s1 =	srdreg.scid;
	s0 =	stileid.u32  }
0x2: {  	s6 =	sand.u32 $0x1, s1;
	s30 =	sshll.u32 s0, $0x1  }
0x3: {  	s5 =	rddreg [dreg:$0x0];
	s1 =	sor.u32 s6, s30  }
0x4: {  	s7 =	rddreg [dreg:$0x1];
	s2 =	simm.s32 $0x0;
	s8 =	smul.u32 $0x680, s1  }
0x5: {  	[smem:$0x7FF] =	sst s2  }
0x6: {  	s9 =	ssub.s32 $0x2, s6;
	s1 =	rddreg [dreg:$0x2];
	s3 =	sadd.s32 s8, s5  }
0x7: {  	_ =	strace $0x80000047;
	s4 =	sadd.s32 $0xE00, s3;
	s3 =	simm.s32 $0x1  }
0x8: {  	[tilespmem:s2], [sflag:$0x1] =	stream.linear.gather [hbm4b:s4+s2], $0x3400, $0x38;
	[tilespmem:$0x3600] =	vst v63  }
0x9: {  	s10 =	sshrl.u32 s9, $0x1;
	_ =	swait.ge [sflag:s3], $0x3400  }
0xa: {  	s6 =	simm.s32 $0x3400;
	s9 =	ssub.s32 s9, s10;
	[sflag:s3] =	ssyncset.done $0x0  }
0xb: {  	s5 =	sadd.s32 $0xF43200, s5;
	s31 =	smax.u32 s9, $0x1;
	[sflag:s3] =	ssyncadd.s32 $0xFFFFCC00  }
0xc: {  	[tilespmem:s6], [sflag:$0x1] =	stream.linear.gather [hbm4b:s5+s2], $0x200, $0x38;
	[tilespmem:$0x3600] =	vst v63  }
0xd: {  	p0 =	sne.s32 s31, $0x1;
	_ =	swait.ge [sflag:s3], $0x200  }
.Ltmp0:
0xe: {  	[sflag:s3] =	ssyncset.done $0x0;
	(pc) =	sbr.rel @!p0 .LBB2_2-.Ltmp0, $4  }
0xf: {  	s7 =	sadd.s32 s7, s8;
	[sflag:s3] =	ssyncadd.s32 $0xFFFFFE00  }
0x10: {  	[hbm4b:s7+s2] =	stream.linear.scatter [tilespmem:s2], [sflag:$0x1], $0x3400, $0x38;
	[tilespmem:$0x3600] =	vst v63  }
0x11: {  	_ =	swait.ge [sflag:s3], $0x3400  }
0x12: {  	s8 =	sadd.s32 $0xFFFFFFFF, s31;
	[sflag:s3] =	ssyncset.done $0x0  }
.LBB2_1:
0x13: {  	p0 =	sne.s32 s8, $0x1;
	s8 =	sadd.s32 $0xFFFFFFFF, s8;
	[sflag:s3] =	ssyncadd.s32 $0xFFFFCC00  }
0x14: {  	[tilespmem:s2], [sflag:$0x1] =	stream.linear.gather [hbm4b:s4+s2], $0x3400, $0x38;
	[tilespmem:$0x3600] =	vst v63  }
0x15: {  	_ =	swait.ge [sflag:s3], $0x3400  }
0x16: {  	[sflag:s3] =	ssyncset.done $0x0  }
0x17: {  	[sflag:s3] =	ssyncadd.s32 $0xFFFFCC00  }
0x18: {  	[tilespmem:s6], [sflag:$0x1] =	stream.linear.gather [hbm4b:s5+s2], $0x200, $0x38;
	[tilespmem:$0x3600] =	vst v63  }
0x19: {  	_ =	swait.ge [sflag:s3], $0x200  }
.Ltmp1:
0x1a: {  	[sflag:s3] =	ssyncset.done $0x0;
	(pc) =	sbr.rel @p0 .LBB2_1-.Ltmp1, $4  }
0x1b: {  	[sflag:s3] =	ssyncadd.s32 $0xFFFFFE00  }
0x1c: {  	[hbm4b:s7+s2] =	stream.linear.scatter [tilespmem:s2], [sflag:$0x1], $0x3400, $0x38;
	[tilespmem:$0x3600] =	vst v63  }
0x1d: {  	_ =	swait.ge [sflag:s3], $0x3400  }
0x1e: {  	[sflag:s3] =	ssyncset.done $0x0  }
.LBB2_2:
0x1f: {  	[sflag:s3] =	ssyncadd.s32 $0xFFFFCC00  }
0x20: {  	_ =	sfence.sel $0x180000  }
0x21: {  	[bflag:$0x0] =	sbarrier.arrive $0xFFFF  }
0x22: {  	p0 =	sne.s32 s0, $0x0;
	_ =	strace $0x90000047  }
0x23: {  	s0 =	sadd.s32 @!p0 $0x100000, s1;
	[bflag:$0x2] =	sbarrier.arrive $0xFFFF  }
0x24: {  	[sflag:s0] =	ssyncadd.tile.s32 @!p0 $0x1;
	_ =	shalt  }
.Lfunc_end2:
_tile_overlayer_lowered:
.L_overlay_start_2:
0x25: {  	(tag) =	ssettag $0x2  }
0x26: {  	s0 =	rddreg [dreg:$0x0];
	s2 =	stileid.u32  }
0x27: {  	s1 =	rddreg [dreg:$0x1];
	p0 =	sne.s32 s2, $0x0  }
0x28: {  	s3 =	rddreg [dreg:$0x2];
	[bflag:$0x3] =	sbarrier.arrive $0xFFFF;
	s2 =	simm.s32 @!p0 $0x1C01  }
0x29: {  	[timem:s3], [sflag:s2] =	dma.local @!p0 [hbm:s0], s1  }
0x2a: {  	s0 =	simm.s32 @!p0 $0x1  }
0x2b: {  	_ =	swait.ge @!p0 [sflag:s0], s1  }
0x2c: {  	s1 =	ssub.s32 @!p0 $0x0, s1;
	[sflag:s0] =	ssyncset.done @!p0 $0x0  }
0x2d: {  	[sflag:s0] =	ssyncadd.s32 @!p0 s1  }
0x2e: {  	[bflag:$0x3] =	sbarrier.arrive $0xFFFF  }
0x2f: {  	_ =	shalt  }

</sc_bundles>
